<compile_context>
chip_gen: v7x
topology: tpu7x:2x2x1
jax: 0.10.2.dev20260603
libtpu: 0.0.44.dev20260713+nightly
codegen_flags: <defaults>
</compile_context>

<pallas_src>
import functools

import jax
import jax.numpy as jnp
from jax import lax
from jax.experimental import pallas as pl
from jax.experimental.pallas import tpu as pltpu
from jax.experimental.pallas import tpu_sc as plsc


def _tc_body(v_ref, m_ref, o_ref, off_ref, val_ref, *, S, d):
    i = pl.program_id(0)
    vb = v_ref[0]
    w = 1.0 - m_ref[0]
    cols = lax.broadcasted_iota(jnp.int32, (d, S), 1)
    values = jnp.max(vb, axis=1, keepdims=True)
    idx = jnp.min(jnp.where(vb == values, cols, S), axis=1,
                  keepdims=True)
    v_cls = vb[:, 0:1]
    out = vb * w
    o_ref[0] = jnp.where(cols == 0, values * w[0:1, 0:1], out)
    w_at = jnp.min(jnp.where(cols == idx, jnp.broadcast_to(w, (d, S)), 2.0),
                   axis=1, keepdims=True)
    chan = lax.broadcasted_iota(jnp.int32, (d, 1), 0)
    off = (i * d + chan) * S + idx
    off_ref[...] = off.reshape(1, 1, d)
    val_ref[...] = (v_cls * w_at).reshape(1, 1, d)


def kernel(q, k, v, attn_mask):
    del q, k
    B, H, S, d = v.shape
    N = B * H
    vt = jnp.swapaxes(v, 2, 3).reshape(N, d, S)
    mf = attn_mask.astype(jnp.float32).reshape(N, 1, S)
    big, off, vals = pl.pallas_call(
        functools.partial(_tc_body, S=S, d=d),
        grid=(N,),
        in_specs=[
            pl.BlockSpec((1, d, S), lambda i: (i, 0, 0)),
            pl.BlockSpec((1, 1, S), lambda i: (i, 0, 0)),
        ],
        out_specs=[
            pl.BlockSpec((1, d, S), lambda i: (i, 0, 0)),
            pl.BlockSpec((1, 1, d), lambda i: (i, 0, 0)),
            pl.BlockSpec((1, 1, d), lambda i: (i, 0, 0)),
        ],
        out_shape=[
            jax.ShapeDtypeStruct((N, d, S), v.dtype),
            jax.ShapeDtypeStruct((N, 1, d), jnp.int32),
            jax.ShapeDtypeStruct((N, 1, d), jnp.float32),
        ],
    )(vt, mf)

    info = plsc.get_sparse_core_info()
    nw = info.num_cores * info.num_subcores
    per = (N * d) // nw
    mesh = plsc.VectorSubcoreMesh(core_axis_name="c", subcore_axis_name="s")

    @functools.partial(
        pl.kernel, mesh=mesh,
        scratch_types=[
            pltpu.VMEM((per,), jnp.int32),
            pltpu.VMEM((per,), jnp.float32),
            pltpu.SemaphoreType.DMA,
        ],
    )
    def _sc_scatter(off_hbm, val_hbm, out_flat, idx_v, val_v, sem):
        wid = lax.axis_index("s") * info.num_cores + lax.axis_index("c")
        base = wid * per
        pltpu.sync_copy(off_hbm.at[pl.ds(base, per)], idx_v)
        pltpu.sync_copy(val_hbm.at[pl.ds(base, per)], val_v)
        pltpu.async_copy(val_v, out_flat.at[idx_v], sem).wait()

    big_ref = jax.new_ref(big.reshape(N * d * S))
    _sc_scatter(off.reshape(N * d), vals.reshape(N * d), big_ref)
    out = big_ref[...].reshape(B, H, d, S)
    return jnp.swapaxes(out, 2, 3)

# --- scband reference (transcript-rebuilt; emitter-appended) ---
"""Pipeline reference for scband-swd7-66932770341578 (READ-ONLY COPY).

The authoritative reference and input builder live on the scoring server;
editing this copy changes nothing except your own understanding.
"""

import jax, jax.numpy as jnp
import numpy as np


def setup_inputs(seed: int = 0) -> dict:
    key = jax.random.key(seed)
    kq, kk, kv, km = jax.random.split(key, 4)
    B, H, S, d = 4, 16, 8192, 64
    q = jax.random.normal(kq, (B, H, S, d), dtype=jnp.float32)
    k = jax.random.normal(kk, (B, H, S, d), dtype=jnp.float32)
    v = jax.random.normal(kv, (B, H, S, d), dtype=jnp.float32)
    attn_mask = jax.random.randint(km, (B, H, 1, S), 0, 2).astype(jnp.bool_)
    return {"q": q, "k": k, "v": v, "attn_mask": attn_mask}


def reference(q, k, v, attn_mask):
    B, H, S, d = v.shape
    # per-channel max over the sequence axis (dim=-2)
    values = jnp.max(v, axis=-2)      # [B, H, d]
    indices = jnp.argmax(v, axis=-2)  # [B, H, d] first-occurrence, matches torch.max
    v_cls = v[:, :, 0, :]             # [B, H, d]
    # new_v[:, :, 0, :] = values
    new_v = v.at[:, :, 0, :].set(values)
    # scatter v_cls into the argmax positions along seq axis (after the row-0 write,
    # so if an argmax is 0 the scatter overwrites row 0 — same as torch order)
    b_idx = jnp.arange(B)[:, None, None]
    h_idx = jnp.arange(H)[None, :, None]
    c_idx = jnp.arange(d)[None, None, :]
    new_v = new_v.at[b_idx, h_idx, indices, c_idx].set(v_cls)
    # masked_fill with attn_mask[:, :, 0, :] broadcast over channel dim
    m = attn_mask[:, :, 0, :]         # [B, H, S]
    out = jnp.where(m[..., None], 0.0, new_v)
    return out

if __name__ == "__main__":
    import jax
    _d = setup_inputs()
    print(jax.jit(kernel)(*tuple(_d.values())))

</pallas_src>

<mosaic_0001>
#map = affine_map<(d0, d1) -> (0)>
module attributes {stable_mosaic.version = 14 : i64} {
  func.func @new_body(%arg0: i32, %arg1: i32, %arg2: memref<4096xi32, #tpu.memory_space<hbm>>, %arg3: memref<4096xf32, #tpu.memory_space<hbm>>, %arg4: memref<33554432xf32, #tpu.memory_space<hbm>>, %arg5: memref<33554432xf32, #tpu.memory_space<hbm>>, %arg6: memref<128xi32, #tpu.memory_space<vmem>>, %arg7: memref<128xf32, #tpu.memory_space<vmem>>, %arg8: memref<!tpu.dma_semaphore, #tpu.memory_space<semaphore_mem>>) attributes {dimension_semantics = [#tpu.dimension_semantics<core_parallel>, #tpu.dimension_semantics<subcore_parallel>], iteration_bounds = array<i64: 2, 16>, scalar_prefetch = 0 : i64, scratch_operands = 3 : i64, tpu.core_type = #tpu.core_type<sc_vector_subcore>, window_params = [{transform_indices = #map}, {transform_indices = #map}, {transform_indices = #map}, {transform_indices = #map}]} {
    %mul3A = arith.constant 2 : i32
    %mul3A_0 = arith.muli %arg1, %mul3A : i32
    %add3A = arith.addi %mul3A_0, %arg0 : i32
    %mul3A_1 = arith.constant 128 : i32
    %mul3A_2 = arith.muli %add3A, %mul3A_1 : i32
    "tpu.region"() ({
      %run_scoped3A = tpu.sem_alloc : memref<!tpu.dma_semaphore, #tpu.memory_space<semaphore_mem>>
      %dma_start3A_5 = tpu.memref_slice %arg2[%mul3A_2] : memref<4096xi32, #tpu.memory_space<hbm>> -> memref<128xi32, #tpu.memory_space<hbm>>
      %dma_start3A_6 = tpu.memref_slice %arg2[%mul3A_2] : memref<4096xi32, #tpu.memory_space<hbm>> -> memref<128xi32, #tpu.memory_space<hbm>>
      tpu.enqueue_dma source(%dma_start3A_6 : memref<128xi32, #tpu.memory_space<hbm>>) target(%arg6 : memref<128xi32, #tpu.memory_space<vmem>>) target_semaphore(%run_scoped3A : memref<!tpu.dma_semaphore, #tpu.memory_space<semaphore_mem>>)
      %dma_wait3A_7 = tpu.memref_slice %arg2[%mul3A_2] : memref<4096xi32, #tpu.memory_space<hbm>> -> memref<128xi32, #tpu.memory_space<hbm>>
      %dma_wait3A_8 = tpu.memref_slice %arg2[%mul3A_2] : memref<4096xi32, #tpu.memory_space<hbm>> -> memref<128xi32, #tpu.memory_space<hbm>>
      tpu.wait_dma2 semaphore(%run_scoped3A : memref<!tpu.dma_semaphore, #tpu.memory_space<semaphore_mem>>) src(%dma_wait3A_8 : memref<128xi32, #tpu.memory_space<hbm>>) dst(%arg6 : memref<128xi32, #tpu.memory_space<vmem>>)
      tpu.yield
    }) : () -> ()
    "tpu.region"() ({
      %run_scoped3A = tpu.sem_alloc : memref<!tpu.dma_semaphore, #tpu.memory_space<semaphore_mem>>
      %dma_start3A_5 = tpu.memref_slice %arg3[%mul3A_2] : memref<4096xf32, #tpu.memory_space<hbm>> -> memref<128xf32, #tpu.memory_space<hbm>>
      %dma_start3A_6 = tpu.memref_slice %arg3[%mul3A_2] : memref<4096xf32, #tpu.memory_space<hbm>> -> memref<128xf32, #tpu.memory_space<hbm>>
      tpu.enqueue_dma source(%dma_start3A_6 : memref<128xf32, #tpu.memory_space<hbm>>) target(%arg7 : memref<128xf32, #tpu.memory_space<vmem>>) target_semaphore(%run_scoped3A : memref<!tpu.dma_semaphore, #tpu.memory_space<semaphore_mem>>)
      %dma_wait3A_7 = tpu.memref_slice %arg3[%mul3A_2] : memref<4096xf32, #tpu.memory_space<hbm>> -> memref<128xf32, #tpu.memory_space<hbm>>
      %dma_wait3A_8 = tpu.memref_slice %arg3[%mul3A_2] : memref<4096xf32, #tpu.memory_space<hbm>> -> memref<128xf32, #tpu.memory_space<hbm>>
      tpu.wait_dma2 semaphore(%run_scoped3A : memref<!tpu.dma_semaphore, #tpu.memory_space<semaphore_mem>>) src(%dma_wait3A_8 : memref<128xf32, #tpu.memory_space<hbm>>) dst(%arg7 : memref<128xf32, #tpu.memory_space<vmem>>)
      tpu.yield
    }) : () -> ()
    %dma_start3A = arith.constant 0 : i32
    %dma_start3A_3 = tpu.memref_slice %arg4[%dma_start3A] : memref<33554432xf32, #tpu.memory_space<hbm>> -> memref<33554432xf32, #tpu.memory_space<hbm>>
    tpu.enqueue_indirect_dma source(%arg7 : memref<128xf32, #tpu.memory_space<vmem>>) target(%dma_start3A_3 : memref<33554432xf32, #tpu.memory_space<hbm>>) offsets(%arg6 : memref<128xi32, #tpu.memory_space<vmem>>) semaphore(%arg8 : memref<!tpu.dma_semaphore, #tpu.memory_space<semaphore_mem>>)
    %dma_wait3A = arith.constant 0 : i32
    %dma_wait3A_4 = tpu.memref_slice %arg4[%dma_wait3A] : memref<33554432xf32, #tpu.memory_space<hbm>> -> memref<33554432xf32, #tpu.memory_space<hbm>>
    tpu.wait_indirect_dma semaphore(%arg8 : memref<!tpu.dma_semaphore, #tpu.memory_space<semaphore_mem>>) src(%arg7 : memref<128xf32, #tpu.memory_space<vmem>>) dst(%dma_wait3A_4 : memref<33554432xf32, #tpu.memory_space<hbm>>)
    return
  }
}

module attributes {stable_mosaic.version = 14 : i64} {
  func.func @_tc_body(%arg0: i32, %arg1: memref<1x64x8192xf32, #tpu.memory_space<vmem>>, %arg2: memref<1x1x8192xf32, #tpu.memory_space<vmem>>, %arg3: memref<1x64x8192xf32, #tpu.memory_space<vmem>>, %arg4: memref<1x1x64xi32, #tpu.memory_space<vmem>>, %arg5: memref<1x1x64xf32, #tpu.memory_space<vmem>>) attributes {dimension_semantics = [#tpu.dimension_semantics<arbitrary>], iteration_bounds = array<i64: 64>, scalar_prefetch = 0 : i64, scratch_operands = 0 : i64, tpu.core_type = #tpu.core_type<tc>, window_params = [{transform_indices = @transform_0, window_bounds = array<i64: 1, 64, 8192>}, {transform_indices = @transform_1, window_bounds = array<i64: 1, 1, 8192>}, {transform_indices = @transform_2, window_bounds = array<i64: 1, 64, 8192>}, {transform_indices = @transform_3, window_bounds = array<i64: 1, 1, 64>}, {transform_indices = @transform_4, window_bounds = array<i64: 1, 1, 64>}]} {
    %get3A = arith.constant 0 : index
    %get3A_0 = arith.constant 0 : index
    %get3A_1 = arith.constant 0 : index
    %get3A_2 = vector.load %arg1[%get3A, %get3A_0, %get3A_1] : memref<1x64x8192xf32, #tpu.memory_space<vmem>>, vector<1x64x8192xf32>
    %get3A_3 = vector.shape_cast %get3A_2 : vector<1x64x8192xf32> to vector<64x8192xf32>
    %get3A_4 = arith.constant 0 : index
    %get3A_5 = arith.constant 0 : index
    %get3A_6 = arith.constant 0 : index
    %get3A_7 = vector.load %arg2[%get3A_4, %get3A_5, %get3A_6] : memref<1x1x8192xf32, #tpu.memory_space<vmem>>, vector<1x1x8192xf32>
    %get3A_8 = vector.shape_cast %get3A_7 : vector<1x1x8192xf32> to vector<1x8192xf32>
    %sub3A = arith.constant 1.000000e+00 : f32
    %sub3A_9 = vector.broadcast %sub3A : f32 to vector<1x8192xf32>
    %sub3A_10 = arith.subf %sub3A_9, %get3A_8 : vector<1x8192xf32>
    %iota3A = tpu.iota {dimensions = array<i32: 1>} : vector<64x8192xi32>
    %reduce_max3A = arith.constant dense<0xFF800000> : vector<64xf32>
    %reduce_max3A_11 = vector.multi_reduction <maximumf>, %get3A_3, %reduce_max3A [1] : vector<64x8192xf32> to vector<64xf32>
    %broadcast_in_dim3A = vector.shape_cast %reduce_max3A_11 : vector<64xf32> to vector<64x1xf32>
    %eq3A = vector.broadcast %broadcast_in_dim3A : vector<64x1xf32> to vector<64x8192xf32>
    %eq3A_12 = arith.cmpf oeq, %get3A_3, %eq3A : vector<64x8192xf32>
    %jit3A = arith.constant 8192 : i32
    %broadcast_in_dim3A_13 = vector.broadcast %jit3A : i32 to vector<64x8192xi32>
    %select_n3A = arith.select %eq3A_12, %iota3A, %broadcast_in_dim3A_13 : vector<64x8192xi1>, vector<64x8192xi32>
    %reduce_min3A = arith.constant dense<2147483647> : vector<64xi32>
    %reduce_min3A_14 = vector.multi_reduction <minsi>, %select_n3A, %reduce_min3A [1] : vector<64x8192xi32> to vector<64xi32>
    %broadcast_in_dim3A_15 = vector.shape_cast %reduce_min3A_14 : vector<64xi32> to vector<64x1xi32>
    %slice3A = vector.extract_strided_slice %get3A_3 {offsets = [0, 0], sizes = [64, 1], strides = [1, 1]} : vector<64x8192xf32> to vector<64x1xf32>
    %mul3A = vector.broadcast %sub3A_10 : vector<1x8192xf32> to vector<64x8192xf32>
    %mul3A_16 = arith.mulf %get3A_3, %mul3A : vector<64x8192xf32>
    %eq3A_17 = arith.constant 0 : i32
    %eq3A_18 = vector.broadcast %eq3A_17 : i32 to vector<64x8192xi32>
    %eq3A_19 = arith.cmpi eq, %iota3A, %eq3A_18 : vector<64x8192xi32>
    %slice3A_20 = vector.extract_strided_slice %sub3A_10 {offsets = [0, 0], sizes = [1, 1], strides = [1, 1]} : vector<1x8192xf32> to vector<1x1xf32>
    %mul3A_21 = vector.broadcast %slice3A_20 : vector<1x1xf32> to vector<64x1xf32>
    %mul3A_22 = arith.mulf %broadcast_in_dim3A, %mul3A_21 : vector<64x1xf32>
    %broadcast_in_dim3A_23 = vector.shape_cast %mul3A_22 : vector<64x1xf32> to vector<64x1xf32>
    %broadcast_in_dim3A_24 = vector.broadcast %broadcast_in_dim3A_23 : vector<64x1xf32> to vector<64x8192xf32>
    %select_n3A_25 = arith.select %eq3A_19, %broadcast_in_dim3A_24, %mul3A_16 : vector<64x8192xi1>, vector<64x8192xf32>
    %swap3A = arith.constant 0 : index
    %swap3A_26 = arith.constant 0 : index
    %swap3A_27 = arith.constant 0 : index
    %swap3A_28 = vector.load %arg3[%swap3A, %swap3A_26, %swap3A_27] : memref<1x64x8192xf32, #tpu.memory_space<vmem>>, vector<1x64x8192xf32>
    %swap3A_29 = vector.shape_cast %swap3A_28 : vector<1x64x8192xf32> to vector<64x8192xf32>
    %swap3A_30 = vector.shape_cast %select_n3A_25 : vector<64x8192xf32> to vector<1x64x8192xf32>
    tpu.vector_store %arg3[%swap3A, %swap3A_26, %swap3A_27], %swap3A_30 {strides = array<i32>} : memref<1x64x8192xf32, #tpu.memory_space<vmem>>, vector<1x64x8192xf32>,
    %eq3A_31 = vector.broadcast %broadcast_in_dim3A_15 : vector<64x1xi32> to vector<64x8192xi32>
    %eq3A_32 = arith.cmpi eq, %iota3A, %eq3A_31 : vector<64x8192xi32>
    %broadcast_in_dim3A_33 = vector.shape_cast %sub3A_10 : vector<1x8192xf32> to vector<1x8192xf32>
    %broadcast_in_dim3A_34 = vector.broadcast %broadcast_in_dim3A_33 : vector<1x8192xf32> to vector<64x8192xf32>
    %jit3A_35 = arith.constant 2.000000e+00 : f32
    %broadcast_in_dim3A_36 = vector.broadcast %jit3A_35 : f32 to vector<64x8192xf32>
    %select_n3A_37 = arith.select %eq3A_32, %broadcast_in_dim3A_34, %broadcast_in_dim3A_36 : vector<64x8192xi1>, vector<64x8192xf32>
    %reduce_min3A_38 = arith.constant dense<0x7F800000> : vector<64xf32>
    %reduce_min3A_39 = vector.multi_reduction <minimumf>, %select_n3A_37, %reduce_min3A_38 [1] : vector<64x8192xf32> to vector<64xf32>
    %broadcast_in_dim3A_40 = vector.shape_cast %reduce_min3A_39 : vector<64xf32> to vector<64x1xf32>
    %iota3A_41 = tpu.iota {dimensions = array<i32: 0>} : vector<64x1xi32>
    %mul3A_42 = arith.constant 64 : i32
    %mul3A_43 = arith.muli %arg0, %mul3A_42 : i32
    %add3A = vector.broadcast %mul3A_43 : i32 to vector<64x1xi32>
    %add3A_44 = arith.addi %add3A, %iota3A_41 : vector<64x1xi32>
    %mul3A_45 = arith.constant 8192 : i32
    %mul3A_46 = vector.broadcast %mul3A_45 : i32 to vector<64x1xi32>
    %mul3A_47 = arith.muli %add3A_44, %mul3A_46 : vector<64x1xi32>
    %add3A_48 = arith.addi %mul3A_47, %broadcast_in_dim3A_15 : vector<64x1xi32>
    %reshape3A = vector.shape_cast %add3A_48 : vector<64x1xi32> to vector<1x1x64xi32>
    %swap3A_49 = arith.constant 0 : index
    %swap3A_50 = arith.constant 0 : index
    %swap3A_51 = arith.constant 0 : index
    %swap3A_52 = vector.load %arg4[%swap3A_49, %swap3A_50, %swap3A_51] : memref<1x1x64xi32, #tpu.memory_space<vmem>>, vector<1x1x64xi32>
    tpu.vector_store %arg4[%swap3A_49, %swap3A_50, %swap3A_51], %reshape3A {strides = array<i32>} : memref<1x1x64xi32, #tpu.memory_space<vmem>>, vector<1x1x64xi32>,
    %mul3A_53 = arith.mulf %slice3A, %broadcast_in_dim3A_40 : vector<64x1xf32>
    %reshape3A_54 = vector.shape_cast %mul3A_53 : vector<64x1xf32> to vector<1x1x64xf32>
    %swap3A_55 = arith.constant 0 : index
    %swap3A_56 = arith.constant 0 : index
    %swap3A_57 = arith.constant 0 : index
    %swap3A_58 = vector.load %arg5[%swap3A_55, %swap3A_56, %swap3A_57] : memref<1x1x64xf32, #tpu.memory_space<vmem>>, vector<1x1x64xf32>
    tpu.vector_store %arg5[%swap3A_55, %swap3A_56, %swap3A_57], %reshape3A_54 {strides = array<i32>} : memref<1x1x64xf32, #tpu.memory_space<vmem>>, vector<1x1x64xf32>,
    return
  }
  func.func @transform_0(%arg0: i32) -> (i32, i32, i32) {
    %c0_i32 = arith.constant 0 : i32
    %c0_i32_0 = arith.constant 0 : i32
    %c0_i32_1 = arith.constant 0 : i32
    return %arg0, %c0_i32, %c0_i32_0 : i32, i32, i32
  }
  func.func @transform_1(%arg0: i32) -> (i32, i32, i32) {
    %c0_i32 = arith.constant 0 : i32
    %c0_i32_0 = arith.constant 0 : i32
    %c0_i32_1 = arith.constant 0 : i32
    return %arg0, %c0_i32, %c0_i32_0 : i32, i32, i32
  }
  func.func @transform_2(%arg0: i32) -> (i32, i32, i32) {
    %c0_i32 = arith.constant 0 : i32
    %c0_i32_0 = arith.constant 0 : i32
    %c0_i32_1 = arith.constant 0 : i32
    return %arg0, %c0_i32, %c0_i32_0 : i32, i32, i32
  }
  func.func @transform_3(%arg0: i32) -> (i32, i32, i32) {
    %c0_i32 = arith.constant 0 : i32
    %c0_i32_0 = arith.constant 0 : i32
    %c0_i32_1 = arith.constant 0 : i32
    return %arg0, %c0_i32, %c0_i32_0 : i32, i32, i32
  }
  func.func @transform_4(%arg0: i32) -> (i32, i32, i32) {
    %c0_i32 = arith.constant 0 : i32
    %c0_i32_0 = arith.constant 0 : i32
    %c0_i32_1 = arith.constant 0 : i32
    return %arg0, %c0_i32, %c0_i32_0 : i32, i32, i32
  }
}

</mosaic_0001>

<sc_bundles>
// kernel: kernel.4.cloned.1.call-start
scs
__scs_entry_jumppad:
0x0: {  	(pc) =	sbr.rel $0x88, $3  }
0x1: {  	(tag) =	ssettag $0x0;
	lr =	simm.s32 $0x1  }
0x2: {  	[smem:$0x3F9F] =	sst lr;
	_ =	strace $0xD0000000  }
0x3: {  	_ = 	snop  }
0x4: {  	_ = 	snop  }
0x5: {  	_ = 	snop  }
0x6: {  	_ = 	snop  }
0x7: {  	_ = 	snop  }
__scs_overlays_trampoline_lowered:
0x8: {  	[smem:$0x3FAE] =	sst s0  }
0x9: {  	[smem:$0x3FAF] =	sst s1  }
0xa: {  	[smem:$0x3FB0] =	sst s2  }
0xb: {  	[smem:$0x3FB1] =	sst s3  }
0xc: {  	[smem:$0x3FB2] =	sst s4  }
0xd: {  	[smem:$0x3FB3] =	sst s5  }
0xe: {  	[smem:$0x3FB4] =	sst s6  }
0xf: {  	[smem:$0x3FB5] =	sst s7  }
0x10: {  	[smem:$0x3FB6] =	sst s8  }
0x11: {  	[smem:$0x3FB7] =	sst s9;
	s0 =	simm.s32 @!p0 $0x0  }
0x12: {  	s1 =	sld [smem:$0x3F9D];
	s0 =	simm.s32 @p0 $0x1  }
0x13: {  	[smem:$0x3FB8] =	sst s0;
	s0 =	simm.s32 @!p1 $0x0  }
0x14: {  	s2 =	sld [smem:$0x3F9C];
	s0 =	simm.s32 @p1 $0x1  }
0x15: {  	[smem:$0x3FB9] =	sst s0;
	s0 =	simm.s32 @!p2 $0x0  }
0x16: {  	s3 =	sld [smem:$0x3FDB];
	s0 =	simm.s32 @p2 $0x1  }
0x17: {  	s4 =	simm.s32 $0x1BF5;
	[smem:$0x3FBB] =	sst s0  }
0x18: {  	s0 =	sld [smem:$0x3F9E];
	_ =	swait.ge [sflag:s4], $0x0  }
0x19: {  	s7 =	sld [smem:$0x3F9F]  }
0x1a: {  	s8 =	sadd.s32 $0xFFFFE003, lr  }
0x1b: {  	s9 =	sadd.s32 $0xFFFFFEF7, lr;
	s5 =	simm.s32 $0xFFFFFFFF;
	p2 =	slt.u32 s8, $0xFFFFF086  }
0x1c: {  	p1 =	slt.u32 s9, $0xF7A;
	s5 =	simm.s32 @!p2 $0x0  }
0x1d: {  	s5 =	simm.s32 @p1 $0x1;
	p0 =	seq.s32 s7, s2  }
0x1e: {  	s7 =	smul.u32 @!p0 $0xF7A, s2;
	p2 =	seq.s32 @!p0 s5, $0x0  }
0x1f: {  	s9 =	smul.u32 $0xF7A, s1;
	s8 =	simm.s32 @!p0 $0x1BF5;
	p2 =	por !p2, p0  }
0x20: {  	[sflag:s8] =	ssyncset.s32 @!p0 $0xFFFFF086;
	s6 =	sadd.s32 @!p0 s3, s7;
	s7 =	simm.s32 @!p0 $0x108  }
0x21: {  	s3 =	sadd.s32 s3, s9;
	s6 =	sadd.s32 @!p0 $0x88, s6;
	s7 =	simm.s32 @p2 $0x1082  }
0x22: {  	[simem:s7], [sflag:s8] =	dma.local @!p0 [hbm:s6], $0xF7A  }
0x23: {  	s9 =	sor.u32 $0xD0000000, s2;
	s6 =	simm.s32 $0x108;
	_ =	swait.ge @!p0 [sflag:s8], $0x0  }
0x24: {  	s3 =	sadd.s32 $0x88, s3;
	s6 =	simm.s32 @!p1 $0x1082;
	[sflag:s4] =	ssyncset.s32 $0xFFFFF086  }
0x25: {  	[simem:s6], [sflag:s4] =	dma.local [hbm:s3], $0xF7A  }
0x26: {  	[smem:$0x3F9F] =	sst s1;
	(tag) =	ssettag s2;
	_ =	strace s9  }
0x27: {  	s1 =	sld [smem:$0x3FAF]  }
0x28: {  	s2 =	sld [smem:$0x3FB0]  }
0x29: {  	s4 =	sld [smem:$0x3FB2]  }
0x2a: {  	p0 =	seq.s32 s5, $0x0;
	s5 =	sld [smem:$0x3FB3]  }
0x2b: {  	s6 =	sld [smem:$0x3FB4]  }
0x2c: {  	s7 =	sld [smem:$0x3FB5]  }
0x2d: {  	s3 =	simm.s32 $0x108;
	s8 =	sld [smem:$0x3FB6]  }
0x2e: {  	s3 =	simm.s32 @!p0 $0x1082;
	s9 =	sld [smem:$0x3FB7]  }
0x2f: {  	lr =	sadd.s32 s0, s3;
	s0 =	sld [smem:$0x3FAE]  }
0x30: {  	s3 =	sld [smem:$0x3FB1]  }
0x31: {  	[smem:$0x3FBA] =	sst s10  }
0x32: {  	s10 =	sld [smem:$0x3FB8];
	_ =	sdelay $0x3  }
0x33: {  	p0 =	seq.s32 s10, $0x1;
	s10 =	sld [smem:$0x3FBA];
	_ =	sdelay $0x3  }
0x34: {  	[smem:$0x3FBA] =	sst s10  }
0x35: {  	s10 =	sld [smem:$0x3FB9];
	_ =	sdelay $0x3  }
0x36: {  	p1 =	seq.s32 s10, $0x1;
	s10 =	sld [smem:$0x3FBA];
	_ =	sdelay $0x3  }
0x37: {  	[smem:$0x3FBA] =	sst s10  }
0x38: {  	s10 =	sld [smem:$0x3FBB]  }
0x39: {  	_ = 	snop;
	(pc) =	sbr.ind lr, $3  }
0x3a: {  	_ = 	snop  }
0x3b: {  	_ = 	snop  }
0x3c: {  	p2 =	seq.s32 s10, $0x1;
	s10 =	sld [smem:$0x3FBA]  }
0x3d: {  	_ =	shalt  }
0x3e: {  	_ =	shalt  }
0x3f: {  	_ =	shalt  }
0x40: {  	_ =	shalt  }
0x41: {  	_ =	shalt  }
0x42: {  	_ =	shalt  }
0x43: {  	_ =	shalt  }
0x44: {  	_ =	shalt  }
0x45: {  	_ =	shalt  }
0x46: {  	_ =	shalt  }
0x47: {  	_ =	shalt  }
0x48: {  	_ =	shalt  }
0x49: {  	_ =	shalt  }
0x4a: {  	_ =	shalt  }
0x4b: {  	_ =	shalt  }
0x4c: {  	_ =	shalt  }
0x4d: {  	_ =	shalt  }
0x4e: {  	_ =	shalt  }
0x4f: {  	_ =	shalt  }
0x50: {  	_ =	shalt  }
0x51: {  	_ =	shalt  }
0x52: {  	_ =	shalt  }
0x53: {  	_ =	shalt  }
0x54: {  	_ =	shalt  }
0x55: {  	_ =	shalt  }
0x56: {  	_ =	shalt  }
0x57: {  	_ =	shalt  }
0x58: {  	_ =	shalt  }
0x59: {  	_ =	shalt  }
0x5a: {  	_ =	shalt  }
0x5b: {  	_ =	shalt  }
0x5c: {  	_ =	shalt  }
0x5d: {  	_ =	shalt  }
0x5e: {  	_ =	shalt  }
0x5f: {  	_ =	shalt  }
0x60: {  	_ =	shalt  }
0x61: {  	_ =	shalt  }
0x62: {  	_ =	shalt  }
0x63: {  	_ =	shalt  }
0x64: {  	_ =	shalt  }
0x65: {  	_ =	shalt  }
0x66: {  	_ =	shalt  }
0x67: {  	_ =	shalt  }
0x68: {  	_ =	shalt  }
0x69: {  	_ =	shalt  }
0x6a: {  	_ =	shalt  }
0x6b: {  	_ =	shalt  }
0x6c: {  	_ =	shalt  }
0x6d: {  	_ =	shalt  }
0x6e: {  	_ =	shalt  }
0x6f: {  	_ =	shalt  }
0x70: {  	_ =	shalt  }
0x71: {  	_ =	shalt  }
0x72: {  	_ =	shalt  }
0x73: {  	_ =	shalt  }
0x74: {  	_ =	shalt  }
0x75: {  	_ =	shalt  }
0x76: {  	_ =	shalt  }
0x77: {  	_ =	shalt  }
0x78: {  	_ =	shalt  }
0x79: {  	_ =	shalt  }
0x7a: {  	_ =	shalt  }
0x7b: {  	_ =	shalt  }
0x7c: {  	_ =	shalt  }
0x7d: {  	_ =	shalt  }
0x7e: {  	_ =	shalt  }
0x7f: {  	_ =	shalt  }
0x80: {  	_ =	shalt  }
0x81: {  	_ =	shalt  }
0x82: {  	_ =	shalt  }
0x83: {  	_ =	shalt  }
0x84: {  	_ =	shalt  }
0x85: {  	_ =	shalt  }
0x86: {  	_ =	shalt  }
0x87: {  	_ =	shalt  }
.Lfunc_end0:
.L_simem_size_0:
called_computation.1_lowered:
.L_overlay_start_0:
0x88: {  	s2 =	sld [smem:$0x3FD9]  }
0x89: {  	s3 =	sld [smem:$0x3FFE];
	_ =	sdelay $0x1  }
0x8a: {  	s1 =	srdreg.scid  }
0x8b: {  	s0 =	sand.u32 $0x1, s1  }
0x8c: {  	s16 =	sshll.u32 s0, $0xA;
	s2 =	sadd.s32 s3, s2  }
0x8d: {  	s2 =	sadd.s32 s2, s16  }
0x8e: {  	[smem:$0x3FC6] =	sst s2  }
0x8f: {  	_ = 	snop  }
0x90: {  	(tm) =	ssettm $0x1  }
0x91: {  	s17 =	sld [smem:$0x3FFB];
	_ =	sdelay $0x3  }
0x92: {  	_ =	strace s17  }
0x93: {  	s2 =	sld [smem:$0x3FFC];
	_ =	sdelay $0x3  }
0x94: {  	_ =	strace s2  }
0x95: {  	s2 =	sld [smem:$0x3FFD];
	_ =	sdelay $0x3  }
0x96: {  	_ =	strace s2  }
0x97: {  	_ =	strace $0x8FFFFFFF  }
0x98: {  	s18 =	sld [smem:$0x3FDB];
	_ =	sdelay $0x1  }
0x99: {  	s19 =	simm.s32 $_scs_section_size  }
0x9a: {  	s4 =	simm.s32 $_size__tile_overlayer_lowered;
	s5 =	simm.s32 $_tile_overlayer_lowered  }
0x9b: {  	s22 =	simm.s32 $0x1BFF;
	s21 =	sshll.u32 s5, $0x1;
	s2 =	sadd.s32 s19, s18  }
0x9c: {  	s6 =	simm.s32 $0x0;
	s20 =	sshll.u32 s4, $0x1;
	s4 =	sadd.s32 s21, s2  }
0x9d: {  	[timem:s6], [sflag:s22] =	dma.local [hbm:s4], s20  }
0x9e: {  	_ =	swait.ge [sflag:s22], s20  }
0x9f: {  	s3 =	ssub.s32 $0x0, s20;
	[sflag:s22] =	ssyncset.done $0x0  }
0xa0: {  	[sflag:s22] =	ssyncadd.s32 s3;
	_ =	sdelay $0x1  }
0xa1: {  	s23 =	simm.s32 $0x1B8B  }
0xa2: {  	_ =	swait.ge [sflag:s23], $0x1  }
0xa3: {  	[sflag:s23] =	ssyncset.done $0x0  }
0xa4: {  	s25 =	simm.s32 $0x1B8E;
	s24 =	sld [smem:$0x3FFE];
	[sflag:s23] =	ssyncadd.s32 $0xFFFFFFFF  }
0xa5: {  	s26 =	simm.s32 $execute0_lowered;
	[smem:$0x3FD2] =	sst s25  }
0xa6: {  	s4 =	sshll.u32 s26, $0x1;
	_ =	strace $0x80000049;
	[dreg:$0x1] =	wrdreg $0xFFFFFFFF  }
0xa7: {  	s28 =	simm.s32 $_size_execute0_lowered;
	s2 =	sadd.s32 s2, s4;
	[dreg:$0x0] =	wrdreg $0x0  }
0xa8: {  	s4 =	sshll.u32 s28, $0x1;
	[dreg:$0x2] =	wrdreg s2  }
0xa9: {  	[dreg:$0x3] =	wrdreg s4  }
0xaa: {  	[dreg:$0x4] =	wrdreg $0xC0  }
0xab: {  	_ =	task [dreg:s6], $0x5FFFF  }
0xac: {  	[dreg:$0x1] =	wrdreg $0xFFFFFFFF  }
0xad: {  	[dreg:$0x0] =	wrdreg $0x60  }
0xae: {  	[dreg:$0x2] =	wrdreg s24  }
0xaf: {  	[dreg:$0x3] =	wrdreg $0x9  }
0xb0: {  	_ =	task.clear_ibuf [dreg:s6], $0x4FFFF;
	_ =	strace $0x90000049  }
0xb1: {  	s29 =	simm.s32 $0x9;
	_ =	strace $0x8000004B  }
0xb2: {  	_ =	swait.ge [sflag:s29], $0x1  }
0xb3: {  	[sflag:s29] =	ssyncadd.s32 $0xFFFFFFFF  }
0xb4: {  	_ =	strace $0x9000004B  }
0xb5: {  	_ =	sfence  }
0xb6: {  	s30 =	sld [smem:$0x0];
	_ =	sdelay $0x2  }
0xb7: {  	s31 =	sshll.u32 s1, $0xD;
	s1 =	sshrl.u32 s1, $0x2  }
0xb8: {  	s3 =	sand.u32 $0x4000, s31;
	s1 =	sadd.s32 s1, s30  }
0xb9: {  	s0 =	sor.u32 s3, s0;
	s1 =	sshll.u32 s1, $0x11  }
0xba: {  	s0 =	sor.u32 s1, s0  }
0xbb: {  	s0 =	sadd.s32 $0x8F2B, s0  }
0xbc: {  	[sflag:s0] =	ssyncadd.remote.s32 $0x1  }
0xbd: {  	_ =	sfence.sel $0xFFFF  }
0xbe: {  	[dreg:$0x0] =	wrdreg $0xFFFFFFFF;
	(pc) =	sbr.abs _section_cstart, $3  }
0xbf: {  	[dreg:$0x1] =	wrdreg $0xFFFFFFFF  }
0xc0: {  	_ =	task.clear_ibuf [dreg:s6], $0x2FFFF;
	_ =	strace $0x9FFFFFFF  }
0xc1: {  	(tm) =	ssettm $0x7FFFFFFF  }
tec
execute0_lowered:
.L_overlay_start_1:
0x0: {  	(tag) =	ssettag $0x1  }
0x1: {  	s1 =	srdreg.scid  }
0x2: {  	s0 =	stileid.u32;
	s7 =	rddreg [dreg:$0x0];
	s5 =	sand.u32 $0x1, s1  }
0x3: {  	s2 =	simm.s32 $0x0;
	s3 =	sshll.u32 s0, $0x5;
	s4 =	sshll.u32 s5, $0x4  }
0x4: {  	[smem:$0x7FF] =	sst s2;
	s3 =	sor.u32 s4, s3  }
0x5: {  	s1 =	rddreg [dreg:$0x1];
	_ =	strace $0x8000004A;
	s6 =	sadd.s32 s3, s7  }
0x6: {  	s8 =	ssub.s32 $0x2, s5;
	s4 =	simm.s32 $0x2;
	s3 =	sadd.s32 $0x800, s6  }
0x7: {  	[tilespmem:s2], [sflag:$0x2] =	stream.linear.gather [hbm4b:s3+s2], $0x80, $0x38;
	[tilespmem:$0x100] =	vst v63  }
0x8: {  	s9 =	sshrl.u32 s8, $0x1;
	_ =	swait.ge [sflag:s4], $0x80  }
0x9: {  	s8 =	ssub.s32 s8, s9;
	s5 =	sadd.s32 $0xA00, s6;
	[sflag:s4] =	ssyncset.done $0x0  }
0xa: {  	s6 =	simm.s32 $0x80;
	s9 =	smax.u32 s8, $0x1;
	[sflag:s4] =	ssyncadd.s32 $0xFFFFFF80  }
0xb: {  	[tilespmem:s6], [sflag:$0x2] =	stream.linear.gather [hbm4b:s5+s2], $0x80, $0x38;
	[tilespmem:$0x100] =	vst v63  }
0xc: {  	p0 =	sne.s32 s9, $0x1;
	_ =	swait.ge [sflag:s4], $0x80  }
.Ltmp0:
0xd: {  	[sflag:s4] =	ssyncset.done $0x0;
	(pc) =	sbr.rel @!p0 .LBB2_2-.Ltmp0, $4  }
0xe: {  	s7 =	sadd.s32 $0xC00, s7;
	s8 =	simm.s32 $0x1;
	[sflag:s4] =	ssyncadd.s32 $0xFFFFFF80  }
0xf: {  	[hbm4b:s7+s6] =	stream.indirect.scatter [tilespmem:s6], [sflag:$0x1], $0x1, s2, s6, $0xb8;
	[tilespmem:$0x100] =	vst v63  }
0x10: {  	_ =	swait.ge [sflag:s8], $0x80  }
0x11: {  	s9 =	sadd.s32 $0xFFFFFFFF, s9;
	[sflag:s8] =	ssyncset.done $0x0  }
.LBB2_1:
0x12: {  	p0 =	sne.s32 s9, $0x1;
	s9 =	sadd.s32 $0xFFFFFFFF, s9;
	[sflag:s8] =	ssyncadd.s32 $0xFFFFFF80  }
0x13: {  	[tilespmem:s2], [sflag:$0x2] =	stream.linear.gather [hbm4b:s3+s2], $0x80, $0x38;
	[tilespmem:$0x100] =	vst v63  }
0x14: {  	_ =	swait.ge [sflag:s4], $0x80  }
0x15: {  	[sflag:s4] =	ssyncset.done $0x0  }
0x16: {  	[sflag:s4] =	ssyncadd.s32 $0xFFFFFF80  }
0x17: {  	[tilespmem:s6], [sflag:$0x2] =	stream.linear.gather [hbm4b:s5+s2], $0x80, $0x38;
	[tilespmem:$0x100] =	vst v63  }
0x18: {  	_ =	swait.ge [sflag:s4], $0x80  }
.Ltmp1:
0x19: {  	[sflag:s4] =	ssyncset.done $0x0;
	(pc) =	sbr.rel @p0 .LBB2_1-.Ltmp1, $4  }
0x1a: {  	[sflag:s4] =	ssyncadd.s32 $0xFFFFFF80  }
0x1b: {  	[hbm4b:s7+s6] =	stream.indirect.scatter [tilespmem:s6], [sflag:$0x1], $0x1, s2, s6, $0xb8;
	[tilespmem:$0x100] =	vst v63  }
0x1c: {  	_ =	swait.ge [sflag:s8], $0x80  }
0x1d: {  	[sflag:s8] =	ssyncset.done $0x0  }
.LBB2_2:
0x1e: {  	[sflag:s8] =	ssyncadd.s32 $0xFFFFFF80  }
0x1f: {  	_ =	sfence.sel $0x180000  }
0x20: {  	[bflag:$0x0] =	sbarrier.arrive $0xFFFF  }
0x21: {  	p0 =	sne.s32 s0, $0x0;
	_ =	strace $0x9000004A  }
0x22: {  	s0 =	sadd.s32 @!p0 $0x100000, s1;
	[bflag:$0x2] =	sbarrier.arrive $0xFFFF  }
0x23: {  	[sflag:s0] =	ssyncadd.tile.s32 @!p0 $0x1;
	_ =	shalt  }
.Lfunc_end2:
_tile_overlayer_lowered:
.L_overlay_start_2:
0x24: {  	(tag) =	ssettag $0x2  }
0x25: {  	s0 =	rddreg [dreg:$0x0];
	s2 =	stileid.u32  }
0x26: {  	s1 =	rddreg [dreg:$0x1];
	p0 =	sne.s32 s2, $0x0  }
0x27: {  	s3 =	rddreg [dreg:$0x2];
	[bflag:$0x3] =	sbarrier.arrive $0xFFFF;
	s2 =	simm.s32 @!p0 $0x1C02  }
0x28: {  	[timem:s3], [sflag:s2] =	dma.local @!p0 [hbm:s0], s1  }
0x29: {  	s0 =	simm.s32 @!p0 $0x2  }
0x2a: {  	_ =	swait.ge @!p0 [sflag:s0], s1  }
0x2b: {  	s1 =	ssub.s32 @!p0 $0x0, s1;
	[sflag:s0] =	ssyncset.done @!p0 $0x0  }
0x2c: {  	[sflag:s0] =	ssyncadd.s32 @!p0 s1  }
0x2d: {  	[bflag:$0x3] =	sbarrier.arrive $0xFFFF  }
0x2e: {  	_ =	shalt  }

// kernel: sparse-core-data-format-call.cloned.1.call-start
scs
called_computation_lowered:
.L_overlay_start_0:
0x0: {  	s2 =	sld [smem:$0x3FD9]  }
0x1: {  	s3 =	sld [smem:$0x3FFE];
	_ =	sdelay $0x1  }
0x2: {  	s1 =	srdreg.scid  }
0x3: {  	s0 =	sand.u32 $0x1, s1  }
0x4: {  	s18 =	sshll.u32 s0, $0xA;
	s2 =	sadd.s32 s3, s2  }
0x5: {  	s2 =	sadd.s32 s2, s18  }
0x6: {  	[smem:$0x3FC6] =	sst s2  }
0x7: {  	_ = 	snop  }
0x8: {  	s2 =	sld [smem:$0x3FD0];
	(tm) =	ssettm $0x1  }
0x9: {  	s19 =	sld [smem:$0x3FFB];
	_ =	sdelay $0x3  }
0xa: {  	_ =	strace s19  }
0xb: {  	s3 =	sld [smem:$0x3FFC];
	_ =	sdelay $0x3  }
0xc: {  	_ =	strace s3  }
0xd: {  	s3 =	sld [smem:$0x3FFD];
	_ =	sdelay $0x3  }
0xe: {  	_ =	strace s3  }
0xf: {  	_ =	strace $0x8FFFFFFF  }
0x10: {  	s20 =	sld [smem:$0x3FDB];
	_ =	sdelay $0x1  }
0x11: {  	s4 =	simm.s32 $_scs_section_size  }
0x12: {  	s5 =	simm.s32 $_size__tile_overlayer_lowered;
	s6 =	simm.s32 $_tile_overlayer_lowered  }
0x13: {  	s23 =	simm.s32 $0x1BFF;
	s22 =	sshll.u32 s6, $0x1;
	s3 =	sadd.s32 s4, s20  }
0x14: {  	s7 =	simm.s32 $0x0;
	s21 =	sshll.u32 s5, $0x1;
	s5 =	sadd.s32 s22, s3  }
0x15: {  	[timem:s7], [sflag:s23] =	dma.local [hbm:s5], s21  }
0x16: {  	_ =	swait.ge [sflag:s23], s21  }
0x17: {  	s4 =	ssub.s32 $0x0, s21;
	[sflag:s23] =	ssyncset.done $0x0  }
0x18: {  	[sflag:s23] =	ssyncadd.s32 s4;
	_ =	sdelay $0x1  }
0x19: {  	s24 =	simm.s32 $0x1B8B  }
0x1a: {  	_ =	swait.ge [sflag:s24], $0x1  }
0x1b: {  	[sflag:s24] =	ssyncset.done $0x0  }
0x1c: {  	s26 =	simm.s32 $0x1B8E;
	s25 =	sld [smem:$0x3FFE];
	[sflag:s24] =	ssyncadd.s32 $0xFFFFFFFF  }
0x1d: {  	s27 =	simm.s32 $execute0_lowered;
	[smem:$0x3FD2] =	sst s26  }
0x1e: {  	s5 =	sshll.u32 s27, $0x1;
	_ =	strace $0x80000046;
	[dreg:$0x1] =	wrdreg $0xFFFFFFFF  }
0x1f: {  	s28 =	simm.s32 $_size_execute0_lowered;
	s3 =	sadd.s32 s3, s5;
	[dreg:$0x0] =	wrdreg $0x0  }
0x20: {  	s5 =	sshll.u32 s28, $0x1;
	[dreg:$0x2] =	wrdreg s3  }
0x21: {  	[dreg:$0x3] =	wrdreg s5  }
0x22: {  	[dreg:$0x4] =	wrdreg $0xC0  }
0x23: {  	_ =	task [dreg:s7], $0x5FFFF  }
0x24: {  	[dreg:$0x1] =	wrdreg $0xFFFFFFFF  }
0x25: {  	[dreg:$0x0] =	wrdreg $0x60  }
0x26: {  	[dreg:$0x2] =	wrdreg s2  }
0x27: {  	[dreg:$0x3] =	wrdreg s25  }
0x28: {  	[dreg:$0x4] =	wrdreg $0x9  }
0x29: {  	_ =	task.clear_ibuf [dreg:s7], $0x5FFFF;
	_ =	strace $0x90000046  }
0x2a: {  	s29 =	simm.s32 $0x9;
	_ =	strace $0x80000048  }
0x2b: {  	_ =	swait.ge [sflag:s29], $0x1  }
0x2c: {  	[sflag:s29] =	ssyncadd.s32 $0xFFFFFFFF  }
0x2d: {  	_ =	strace $0x90000048  }
0x2e: {  	_ =	sfence  }
0x2f: {  	s30 =	sld [smem:$0x0];
	_ =	sdelay $0x2  }
0x30: {  	s31 =	sshll.u32 s1, $0xD;
	s1 =	sshrl.u32 s1, $0x2  }
0x31: {  	s3 =	sand.u32 $0x4000, s31;
	s1 =	sadd.s32 s1, s30  }
0x32: {  	s0 =	sor.u32 s3, s0;
	s1 =	sshll.u32 s1, $0x11  }
0x33: {  	s0 =	sor.u32 s1, s0  }
0x34: {  	s0 =	sadd.s32 $0x8F2B, s0  }
0x35: {  	[sflag:s0] =	ssyncadd.remote.s32 $0x1  }
0x36: {  	_ =	sfence.sel $0xFFFF  }
0x37: {  	[dreg:$0x0] =	wrdreg $0xFFFFFFFF;
	(pc) =	sbr.abs _section_cstart, $3  }
0x38: {  	[dreg:$0x1] =	wrdreg $0xFFFFFFFF  }
0x39: {  	_ =	task.clear_ibuf [dreg:s7], $0x2FFFF;
	_ =	strace $0x9FFFFFFF  }
0x3a: {  	(tm) =	ssettm $0x7FFFFFFF  }
0x3b: {  	_ =	shalt  }
tec
execute0_lowered:
.L_overlay_start_1:
0x0: {  	(tag) =	ssettag $0x1  }
0x1: {  	s2 =	rddreg [dreg:$0x0]  }
0x2: {  	s1 =	rddreg [dreg:$0x1]  }
0x3: {  	s0 =	rddreg [dreg:$0x2];
	_ =	strace $0x80000047;
	s4 =	srdreg.scid  }
0x4: {  	s6 =	simm.s32 $0x2;
	s11 =	simm.s32 $0x0;
	p0 =	por $0x0, $0x0  }
.Ltmp0:
0x5: {  	s7 =	simm.s32 $0x2000;
	s12 =	simm.s32 $0x0;
	(pc) =	sbr.rel .LBB1_1-.Ltmp0, $4  }
0x6: {  	s9 =	simm.s32 $0x0;
	s3 =	sadd.s32 $0xC00, s1;
	s5 =	sshll.u32 s4, $0x4  }
0x7: {  	s1 =	stileid.u32;
	s4 =	simm.s32 $0x1;
	s5 =	sand.u32 $0x10, s5  }
0x8: {  	s8 =	simm.s32 $0x0;
	[sflag:s4] =	ssyncpa.u1 $0x0;
	s5 =	sor.u32 s1, s5  }
0x9: {  	[sflag:s6] =	ssyncpa.u1 $0x0;
	s6 =	simm.s32 $0x800;
	s10 =	smov.u32 s5  }
.LBB1_7:
0xa: {  	s13 =	sadd.s32 $0x10, s9  }
0xb: {  	s11 =	sadd.s32 $0x20, s10;
	s15 =	smov.u32 s10;
	p2 =	sgt.s32 s13, $0x3F  }
0xc: {  	p1 =	slt.u32 s8, $0x2;
	s15 =	smov.u32 @p2 s11  }
0xd: {  	s8 =	sadd.s32 $0x1, s8;
	s13 =	simm.s32 @p2 $0x0;
	p2 =	sgt.s32 s15, $0x1FF  }
0xe: {  	s15 =	smov.u32 @p2 s5;
	p2 =	sne.s32 s8, $0x42  }
.Ltmp1:
0xf: {  	_ = 	snop;
	(pc) =	sbr.rel @!p2 .LBB1_8-.Ltmp1, $4  }
0x10: {  	s14 =	simm.s32 @!p1 $0x2  }
0x11: {  	s12 =	smov.u32 s10;
	_ =	swait.ge @!p1 [sflag:s14], $0x4000  }
0x12: {  	p0 =	por !p0, !p0;
	s11 =	smov.u32 s9;
	[sflag:s14] =	ssyncset.done @!p1 $0x0  }
0x13: {  	s9 =	smov.u32 s13;
	[sflag:s14] =	ssyncadd.s32 @!p1 $0xFFFFC000;
	s10 =	smov.u32 s15  }
.LBB1_1:
0x14: {  	p1 =	sgt.u32 s8, $0x3F  }
0x15: {  	s13 =	sxor.u32 @!p1 $0xFFFFFFFF, s8;
	s14 =	sshll.u32 @!p1 s10, $0xD  }
0x16: {  	s15 =	sshll.u32 @!p1 s9, $0x7;
	s13 =	sshll.u32 @!p1 s13, $0xE;
	s14 =	sadd.s32 @!p1 s2, s14  }
0x17: {  	s13 =	sand.u32 @!p1 $0x4000, s13;
	s14 =	sadd.s32 @!p1 s15, s14;
	s15 =	simm.s32 @!p1 $0x0  }
0x18: {  	[tilespmem:s13], [sflag:$0x1] =	stream.linear.gather @!p1 [hbm4b:s14+s15], $0x4000, $0x38;
	[tilespmem:$0x10000] =	vst v63  }
0x19: {  	p1 =	seq.s32 s8, $0x0  }
0x1a: {  	p2 =	seq.s32 @!p1 s8, $0x41  }
0x1b: {  	p1 =	por p1, p2  }
.Ltmp2:
0x1c: {  	_ = 	snop;
	(pc) =	sbr.rel @p1 .LBB1_7-.Ltmp2, $1  }
0x1d: {  	_ =	sdelay $0x3  }
0x1e: {  	s13 =	simm.s32 $0x1;
	_ =	swait.ge [sflag:s4], $0x4000;
	s16 =	sshll.u32 s8, $0xE  }
0x1f: {  	s13 =	simm.s32 @!p0 $0x0;
	[sflag:s4] =	ssyncset.done $0x0;
	s31 =	sand.u32 $0x4000, s16  }
0x20: {  	s16 =	simm.s32 $0x0;
	s14 =	sshll.u32 s13, $0xE;
	[sflag:s4] =	ssyncadd.s32 $0xFFFFC000  }
0x21: {  	s13 =	sor.u32 $0x8040, s14;
	s15 =	sor.u32 $0x40, s14;
	s14 =	sor.u32 $0x8000, s31  }
.LBB1_3:
0x22: {  	v0 =	vmov s15;
	_ =	sdelay $0x3  }
0x23: {  	s18 =	simm.s32 $0x0  }
0x24: {  	v6 =	vld.idx.msk [tilespmem:v0+s18+$0x30 ss:$0x1], $0xffff  }
0x25: {  	v7 =	vld.idx.msk [tilespmem:v0+s18+$0xFFFFFFC0 ss:$0x1], $0xffff  }
0x26: {  	v5 =	vld.idx.msk [tilespmem:v0+s18+$0xFFFFFFD0 ss:$0x1], $0xffff  }
0x27: {  	v4 =	vld.idx.msk [tilespmem:v0+s18+$0xFFFFFFE0 ss:$0x1], $0xffff  }
0x28: {  	v3 =	vld.idx.msk [tilespmem:v0+s18+$0xFFFFFFF0 ss:$0x1], $0xffff  }
0x29: {  	v1 =	vld.idx.msk [tilespmem:v0+s18+$0x0 ss:$0x1], $0xffff  }
0x2a: {  	v2 =	vld.idx.msk [tilespmem:v0+s18+$0x10 ss:$0x1], $0xffff;
	[tilespmem:s13+$0x30] =	vst v6  }
0x2b: {  	s17 =	simm.s32 $0x80;
	s19 =	simm.s32 $0x400;
	[tilespmem:s13+$0xFFFFFFC0] =	vst v7;
	v6 =	vld.idx.msk [tilespmem:v0+s18+$0x20 ss:$0x1], $0xffff;
	s18 =	smov.u32 s13  }
.LBB1_4:
0x2c: {  	p1 =	sne.s32 s19, $0xE00;
	v7 =	vld.idx.msk [tilespmem:v0+s17+$0x30 ss:$0x1], $0xffff;
	[tilespmem:s18+$0xFFFFFFD0] =	vst v5  }
0x2d: {  	v8 =	vld.idx.msk [tilespmem:v0+s17+$0xFFFFFFC0 ss:$0x1], $0xffff;
	[tilespmem:s18+$0xFFFFFFE0] =	vst v4  }
0x2e: {  	v5 =	vld.idx.msk [tilespmem:v0+s17+$0xFFFFFFD0 ss:$0x1], $0xffff;
	[tilespmem:s18+$0xFFFFFFF0] =	vst v3  }
.Ltmp3:
0x2f: {  	v4 =	vld.idx.msk [tilespmem:v0+s17+$0xFFFFFFE0 ss:$0x1], $0xffff;
	[tilespmem:s18+$0x0] =	vst v1;
	(pc) =	sbr.rel @p1 .LBB1_4-.Ltmp3, $4  }
0x30: {  	v3 =	vld.idx.msk [tilespmem:v0+s17+$0xFFFFFFF0 ss:$0x1], $0xffff;
	[tilespmem:s18+$0x10] =	vst v2  }
0x31: {  	v1 =	vld.idx.msk [tilespmem:v0+s17+$0x0 ss:$0x1], $0xffff;
	[tilespmem:s18+$0x20] =	vst v6;
	s18 =	sadd.s32 $0x800, s18  }
0x32: {  	v2 =	vld.idx.msk [tilespmem:v0+s17+$0x10 ss:$0x1], $0xffff;
	[tilespmem:s18+$0x30] =	vst v7  }
0x33: {  	[tilespmem:s18+$0xFFFFFFC0] =	vst v8;
	v6 =	vld.idx.msk [tilespmem:v0+s17+$0x20 ss:$0x1], $0xffff;
	s17 =	sshra.s32 s19, $0x2;
	s19 =	sadd.s32 $0x200, s19  }
0x34: {  	_ =	sdelay $0x2  }
0x35: {  	[tilespmem:s18+$0xFFFFFFD0] =	vst v5  }
0x36: {  	v56 =	vld.idx.msk [tilespmem:v0+s17+$0x30 ss:$0x1], $0xffff;
	[tilespmem:s18+$0xFFFFFFE0] =	vst v4  }
0x37: {  	v57 =	vld.idx.msk [tilespmem:v0+s17+$0xFFFFFFC0 ss:$0x1], $0xffff;
	[tilespmem:s18+$0xFFFFFFF0] =	vst v3  }
0x38: {  	v58 =	vld.idx.msk [tilespmem:v0+s17+$0xFFFFFFD0 ss:$0x1], $0xffff;
	[tilespmem:s18+$0x0] =	vst v1  }
0x39: {  	v59 =	vld.idx.msk [tilespmem:v0+s17+$0xFFFFFFE0 ss:$0x1], $0xffff;
	[tilespmem:s18+$0x10] =	vst v2  }
0x3a: {  	v60 =	vld.idx.msk [tilespmem:v0+s17+$0xFFFFFFF0 ss:$0x1], $0xffff;
	s31 =	sadd.s32 $0x800, s18;
	[tilespmem:s18+$0x20] =	vst v6  }
0x3b: {  	v61 =	vld.idx.msk [tilespmem:v0+s17+$0x0 ss:$0x1], $0xffff;
	[tilespmem:s31+$0x30] =	vst v56  }
0x3c: {  	v62 =	vld.idx.msk [tilespmem:v0+s17+$0x10 ss:$0x1], $0xffff;
	s16 =	sadd.s32 $0x1, s16;
	[tilespmem:s31+$0xFFFFFFC0] =	vst v57  }
0x3d: {  	v63 =	vld.idx.msk [tilespmem:v0+s17+$0x20 ss:$0x1], $0xffff;
	p1 =	sne.s32 s16, $0x10;
	[tilespmem:s31+$0xFFFFFFD0] =	vst v58  }
.Ltmp4:
0x3e: {  	[tilespmem:s31+$0xFFFFFFE0] =	vst v59;
	(pc) =	sbr.rel @p1 .LBB1_3-.Ltmp4, $4  }
0x3f: {  	[tilespmem:s31+$0xFFFFFFF0] =	vst v60  }
0x40: {  	[tilespmem:s31+$0x0] =	vst v61  }
0x41: {  	[tilespmem:s31+$0x10] =	vst v62  }
0x42: {  	s13 =	sadd.s32 $0x80, s13;
	s15 =	sadd.s32 $0x400, s15;
	[tilespmem:s31+$0x20] =	vst v63  }
.Ltmp5:
0x43: {  	(pc) =	sbr.rel .LBB1_7-.Ltmp5, $4  }
0x44: {  	s12 =	sshll.u32 s12, $0xD;
	s11 =	sshll.u32 s11, $0x4  }
0x45: {  	s11 =	sand.u32 $0x3F0, s11;
	s12 =	sadd.s32 s3, s12  }
0x46: {  	s11 =	sadd.s32 s11, s12  }
0x47: {  	[hbm4b:s11+s6] =	stream.strided.scatter [tilespmem:s14], [sflag:$0x2], $0x4000, s7, s6, $0x38;
	[tilespmem:$0x10000] =	vst v63  }
.LBB1_8:
0x48: {  	_ =	sfence.sel $0x180000  }
0x49: {  	s2 =	simm.s32 $0x1;
	[bflag:$0x0] =	sbarrier.arrive $0xFFFF  }
0x4a: {  	s31 =	simm.s32 $0x2;
	[sflag:s2] =	ssyncpa.u1 $0x1  }
0x4b: {  	[sflag:s31] =	ssyncpa.u1 $0x1  }
0x4c: {  	p0 =	sne.s32 s1, $0x0;
	_ =	strace $0x90000047  }
0x4d: {  	s0 =	sadd.s32 @!p0 $0x100000, s0;
	[bflag:$0x2] =	sbarrier.arrive $0xFFFF  }
0x4e: {  	[sflag:s0] =	ssyncadd.tile.s32 @!p0 $0x1;
	_ =	shalt  }
.Lfunc_end1:
_tile_overlayer_lowered:
.L_overlay_start_2:
0x4f: {  	(tag) =	ssettag $0x2  }
0x50: {  	s0 =	rddreg [dreg:$0x0];
	s2 =	stileid.u32  }
0x51: {  	s1 =	rddreg [dreg:$0x1];
	p0 =	sne.s32 s2, $0x0  }
0x52: {  	s3 =	rddreg [dreg:$0x2];
	[bflag:$0x3] =	sbarrier.arrive $0xFFFF;
	s2 =	simm.s32 @!p0 $0x1C01  }
0x53: {  	[timem:s3], [sflag:s2] =	dma.local @!p0 [hbm:s0], s1  }
0x54: {  	s0 =	simm.s32 @!p0 $0x1  }
0x55: {  	_ =	swait.ge @!p0 [sflag:s0], s1  }
0x56: {  	s1 =	ssub.s32 @!p0 $0x0, s1;
	[sflag:s0] =	ssyncset.done @!p0 $0x0  }
0x57: {  	[sflag:s0] =	ssyncadd.s32 @!p0 s1  }
0x58: {  	[bflag:$0x3] =	sbarrier.arrive $0xFFFF  }
0x59: {  	_ =	shalt  }

</sc_bundles>
